<compile_context>
chip_gen: v7x
topology: tpu7x:2x2x1
jax: 0.10.2.dev20260603
libtpu: 0.0.44.dev20260713+nightly
codegen_flags: <defaults>
</compile_context>

<pallas_src>
import functools

import jax
import jax.numpy as jnp
from jax import lax
from jax.experimental import pallas as pl
from jax.experimental.pallas import tpu as pltpu
from jax.experimental.pallas import tpu_sc as plsc

_B = 4
_N = 100000
_D = 64
_W = 2 * _D
_NPAIR = _N // 2
_NP = 50
_NPAD = 64
_NU = _B * _NPAD
_NWORK = 32
_UPW = _NU // _NWORK
_BLK = 2000


def _sc_vals_body(tab_hbm, f2_hbm, aw_hbm, narr2_hbm, vout_hbm,
                  trows, frows, aw_v, narrh, usem):
    cid = lax.axis_index("c")
    sid = lax.axis_index("s")
    wid = sid * 2 + cid
    ub = wid * _UPW

    pltpu.sync_copy(narr2_hbm.at[pl.ds(ub, _UPW)], narrh)
    pltpu.sync_copy(f2_hbm.at[pl.ds(ub, _UPW)], frows)
    pltpu.sync_copy(aw_hbm.at[pl.ds(ub, _UPW)], aw_v)
    pltpu.make_async_copy(tab_hbm.at[narrh], trows, usem).start()
    pltpu.make_async_copy(tab_hbm.at[narrh], trows, usem).wait()

    def row(i, carry):
        for k in range(_W // 16):
            a = aw_v[i, pl.ds((k // 4) * 16, 16)]
            t = trows[i, pl.ds(k * 16, 16)]
            f = frows[i, pl.ds(k * 16, 16)]
            trows[i, pl.ds(k * 16, 16)] = t + a * (f - t)
        return carry

    lax.fori_loop(0, _UPW, row, 0)
    pltpu.sync_copy(trows, vout_hbm.at[pl.ds(ub, _UPW)])


_RBLK = 4000


def _tc_body(tab_ref, nodes_ref, vals_ref, par_ref, out_ref):
    base = pl.program_id(0) * _RBLK
    tab = tab_ref[...]
    sel = par_ref[...] > 0
    rowvals = jnp.where(sel, vals_ref[:, _D:], vals_ref[:, :_D])
    rows = jax.lax.broadcasted_iota(jnp.int32, (_RBLK, _NPAD), 0) + base
    ii = jax.lax.broadcasted_iota(jnp.int32, (_NPAD, _NPAD), 0)
    jj = jax.lax.broadcasted_iota(jnp.int32, (_NPAD, _NPAD), 1)
    later = jj > ii
    for g in range(_B):
        ng = nodes_ref[g, :].reshape(1, _NPAD)
        ngc = ng.reshape(_NPAD, 1)
        dup = jnp.any((ngc == ng) & later, axis=1, keepdims=True)
        kept = jnp.logical_not(dup).reshape(1, _NPAD)
        onehot = ((rows == ng) & kept).astype(jnp.float32)
        betak = jnp.max(onehot, axis=1, keepdims=True)
        upd = jnp.dot(onehot, rowvals[g * _NPAD:(g + 1) * _NPAD, :],
                      preferred_element_type=jnp.float32)
        out_ref[g] = tab * (1.0 - betak) + upd


@jax.jit
def _run(tab2, f2, aw, narr2, nodes_grid, parw):
    mesh = plsc.VectorSubcoreMesh(core_axis_name="c", subcore_axis_name="s")
    vals = functools.partial(
        pl.kernel,
        out_type=jax.ShapeDtypeStruct((_NU, _W), jnp.float32),
        mesh=mesh,
        scratch_types=[
            pltpu.VMEM((_UPW, _W), jnp.float32),
            pltpu.VMEM((_UPW, _W), jnp.float32),
            pltpu.VMEM((_UPW, 32), jnp.float32),
            pltpu.VMEM((_UPW,), jnp.int32),
            pltpu.SemaphoreType.DMA,
        ],
    )(_sc_vals_body)(tab2, f2, aw, narr2)

    out = pl.pallas_call(
        _tc_body,
        grid=(_N // _RBLK,),
        in_specs=[
            pl.BlockSpec((_RBLK, _D), lambda i: (i, 0)),
            pl.BlockSpec((8, _NPAD), lambda i: (0, 0)),
            pl.BlockSpec((_NU, _W), lambda i: (0, 0)),
            pl.BlockSpec((_NU, 1), lambda i: (0, 0)),
        ],
        out_specs=pl.BlockSpec((_B, _RBLK, _D), lambda i: (0, i, 0)),
        out_shape=jax.ShapeDtypeStruct((_B, _N, _D), jnp.float32),
    )(tab2.reshape(_N, _D), nodes_grid, vals, parw)
    return out


def kernel(nodes_output, item_table, alpha, nodes, batch_num_nodes):
    nodes2d = nodes.reshape(_B, _NP)
    padc = jnp.broadcast_to(nodes2d[:, -1:], (_B, _NPAD - _NP))
    nodes_pad = jnp.concatenate([nodes2d, padc], axis=1)
    eq = nodes_pad[:, :, None] == nodes_pad[:, None, :]
    jidx = jnp.arange(_NPAD, dtype=jnp.int32)[None, None, :]
    lastocc = jnp.max(jnp.where(eq, jidx, -1), axis=2)
    feat = nodes_output.reshape(_B, _NP, _D)
    fpad = jnp.broadcast_to(feat[:, -1:, :], (_B, _NPAD - _NP, _D))
    feat_pad = jnp.concatenate([feat, fpad], axis=1)
    feat_eff = jnp.take_along_axis(feat_pad, lastocc[:, :, None], axis=1)
    feat_eff = feat_eff.reshape(_NU, _D)

    narr = nodes_pad.reshape(_NU)
    av = alpha.reshape(_N)[narr]
    par = narr & 1

    mate_eq = nodes_pad[:, :, None] == (nodes_pad[:, None, :] ^ 1)
    has_mate = jnp.any(mate_eq, axis=2).reshape(_NU)
    mate_loc = jnp.argmax(mate_eq, axis=2)
    mate_idx = (mate_loc
                + (jnp.arange(_B, dtype=jnp.int32) * _NPAD)[:, None]
                ).reshape(_NU)
    f_mate = feat_eff[mate_idx]
    a_mate = jnp.where(has_mate, av[mate_idx], 0.0)

    sel = (par == 0)[:, None]
    fhalf0 = jnp.where(sel, feat_eff, f_mate)
    fhalf1 = jnp.where(sel, f_mate, feat_eff)
    ahalf0 = jnp.where(par == 0, av, a_mate)
    ahalf1 = jnp.where(par == 0, a_mate, av)
    f2 = jnp.concatenate([fhalf0, fhalf1], axis=1)
    aw = jnp.concatenate(
        [jnp.broadcast_to(ahalf0[:, None], (_NU, 16)),
         jnp.broadcast_to(ahalf1[:, None], (_NU, 16))], axis=1)

    narr2 = narr >> 1
    nodes_grid = jnp.concatenate(
        [nodes_pad, jnp.zeros((8 - _B, _NPAD), jnp.int32) - 1], axis=0)
    parw = par.astype(jnp.float32).reshape(_NU, 1)

    return _run(item_table.reshape(_NPAIR, _W), f2, aw, narr2,
                nodes_grid, parw)

# --- scband reference (transcript-rebuilt; emitter-appended) ---
"""Pipeline reference for scband-global-gated-updater-17085379903500 (READ-ONLY COPY).

The authoritative reference and input builder live on the scoring server;
editing this copy changes nothing except your own understanding.
"""

import jax, jax.numpy as jnp
import numpy as np

ITEMS_TOTAL = 100000
EMBED_DIM = 64
BATCH = 4
NODES_PER_GRAPH = 50


def setup_inputs(seed: int = 0) -> dict:
    key = jax.random.key(seed)
    k1, k2, k3, k4 = jax.random.split(key, 4)
    nodes = jax.random.randint(k1, (BATCH * NODES_PER_GRAPH,), 0, ITEMS_TOTAL, dtype=jnp.int32)
    nodes_output = jax.random.normal(k2, (BATCH * NODES_PER_GRAPH, EMBED_DIM), dtype=jnp.float32)
    # learned params: embedding table (items_total x d) and gate alpha (items_total x 1)
    item_table = 0.02 * jax.random.normal(k3, (ITEMS_TOTAL, EMBED_DIM), dtype=jnp.float32)
    alpha = jax.random.uniform(k4, (ITEMS_TOTAL, 1), dtype=jnp.float32)
    batch_num_nodes = jnp.full((BATCH,), NODES_PER_GRAPH, dtype=jnp.int32)
    return {
        "nodes_output": nodes_output,
        "item_table": item_table,
        "alpha": alpha,
        "nodes": nodes,
        "batch_num_nodes": batch_num_nodes,
    }


def reference(nodes_output, item_table, alpha, nodes, batch_num_nodes):
    # graph.batch_num_nodes() is constant (50 per subgraph), so slicing becomes a reshape
    nodes_r = nodes.reshape(BATCH, NODES_PER_GRAPH)
    feats_r = nodes_output.reshape(BATCH, NODES_PER_GRAPH, EMBED_DIM)

    # items_embedding = item_embedding(arange(items_total)) == full table
    items_embedding = item_table

    def per_graph(out_nodes, feat):
        # beta[output_nodes] = 1  (scatter-overwrite)
        beta = jnp.zeros((ITEMS_TOTAL, 1), dtype=items_embedding.dtype).at[out_nodes].set(1.0)
        # embed = (1 - beta * alpha) * items_embedding
        embed = (1.0 - beta * alpha) * items_embedding
        # embed[output_nodes] = embed[output_nodes] + alpha[output_nodes] * output_node_features
        updated = embed[out_nodes] + alpha[out_nodes] * feat
        embed = embed.at[out_nodes].set(updated)
        return embed

    batch_embedding = jax.vmap(per_graph)(nodes_r, feats_r)
    return batch_embedding

if __name__ == "__main__":
    import jax
    _d = setup_inputs()
    print(jax.jit(kernel)(*tuple(_d.values())))

</pallas_src>

<mosaic_0001>
#map = affine_map<(d0, d1) -> (0, 0)>
#map1 = affine_map<(d0, d1) -> (0)>
module attributes {stable_mosaic.version = 14 : i64} {
  func.func @_sc_vals_body(%arg0: i32, %arg1: i32, %arg2: memref<50000x128xf32, #tpu.memory_space<hbm>>, %arg3: memref<256x128xf32, #tpu.memory_space<hbm>>, %arg4: memref<256x32xf32, #tpu.memory_space<hbm>>, %arg5: memref<256xi32, #tpu.memory_space<hbm>>, %arg6: memref<256x128xf32, #tpu.memory_space<hbm>>, %arg7: memref<8x128xf32, #tpu.memory_space<vmem>>, %arg8: memref<8x128xf32, #tpu.memory_space<vmem>>, %arg9: memref<8x32xf32, #tpu.memory_space<vmem>>, %arg10: memref<8xi32, #tpu.memory_space<vmem>>, %arg11: memref<!tpu.dma_semaphore, #tpu.memory_space<semaphore_mem>>) attributes {dimension_semantics = [#tpu.dimension_semantics<core_parallel>, #tpu.dimension_semantics<subcore_parallel>], iteration_bounds = array<i64: 2, 16>, scalar_prefetch = 0 : i64, scratch_operands = 5 : i64, tpu.core_type = #tpu.core_type<sc_vector_subcore>, window_params = [{transform_indices = #map}, {transform_indices = #map}, {transform_indices = #map}, {transform_indices = #map1}, {transform_indices = #map}]} {
    %mul3A = arith.constant 2 : i32
    %mul3A_0 = arith.muli %arg1, %mul3A : i32
    %add3A = arith.addi %mul3A_0, %arg0 : i32
    %mul3A_1 = arith.constant 8 : i32
    %mul3A_2 = arith.muli %add3A, %mul3A_1 : i32
    "tpu.region"() ({
      %run_scoped3A = tpu.sem_alloc : memref<!tpu.dma_semaphore, #tpu.memory_space<semaphore_mem>>
      %dma_start3A_12 = tpu.memref_slice %arg5[%mul3A_2] : memref<256xi32, #tpu.memory_space<hbm>> -> memref<8xi32, #tpu.memory_space<hbm>>
      %dma_start3A_13 = tpu.memref_slice %arg5[%mul3A_2] : memref<256xi32, #tpu.memory_space<hbm>> -> memref<8xi32, #tpu.memory_space<hbm>>
      tpu.enqueue_dma source(%dma_start3A_13 : memref<8xi32, #tpu.memory_space<hbm>>) target(%arg10 : memref<8xi32, #tpu.memory_space<vmem>>) target_semaphore(%run_scoped3A : memref<!tpu.dma_semaphore, #tpu.memory_space<semaphore_mem>>)
      %dma_wait3A_14 = tpu.memref_slice %arg5[%mul3A_2] : memref<256xi32, #tpu.memory_space<hbm>> -> memref<8xi32, #tpu.memory_space<hbm>>
      %dma_wait3A_15 = tpu.memref_slice %arg5[%mul3A_2] : memref<256xi32, #tpu.memory_space<hbm>> -> memref<8xi32, #tpu.memory_space<hbm>>
      tpu.wait_dma2 semaphore(%run_scoped3A : memref<!tpu.dma_semaphore, #tpu.memory_space<semaphore_mem>>) src(%dma_wait3A_15 : memref<8xi32, #tpu.memory_space<hbm>>) dst(%arg10 : memref<8xi32, #tpu.memory_space<vmem>>)
      tpu.yield
    }) : () -> ()
    "tpu.region"() ({
      %run_scoped3A = tpu.sem_alloc : memref<!tpu.dma_semaphore, #tpu.memory_space<semaphore_mem>>
      %dma_start3A_12 = arith.constant 0 : i32
      %dma_start3A_13 = tpu.memref_slice %arg3[%mul3A_2, %dma_start3A_12] : memref<256x128xf32, #tpu.memory_space<hbm>> -> memref<8x128xf32, #tpu.memory_space<hbm>>
      %dma_start3A_14 = arith.constant 0 : i32
      %dma_start3A_15 = tpu.memref_slice %arg3[%mul3A_2, %dma_start3A_14] : memref<256x128xf32, #tpu.memory_space<hbm>> -> memref<8x128xf32, #tpu.memory_space<hbm>>
      tpu.enqueue_dma source(%dma_start3A_15 : memref<8x128xf32, #tpu.memory_space<hbm>>) target(%arg8 : memref<8x128xf32, #tpu.memory_space<vmem>>) target_semaphore(%run_scoped3A : memref<!tpu.dma_semaphore, #tpu.memory_space<semaphore_mem>>)
      %dma_wait3A_16 = arith.constant 0 : i32
      %dma_wait3A_17 = tpu.memref_slice %arg3[%mul3A_2, %dma_wait3A_16] : memref<256x128xf32, #tpu.memory_space<hbm>> -> memref<8x128xf32, #tpu.memory_space<hbm>>
      %dma_wait3A_18 = arith.constant 0 : i32
      %dma_wait3A_19 = tpu.memref_slice %arg3[%mul3A_2, %dma_wait3A_18] : memref<256x128xf32, #tpu.memory_space<hbm>> -> memref<8x128xf32, #tpu.memory_space<hbm>>
      tpu.wait_dma2 semaphore(%run_scoped3A : memref<!tpu.dma_semaphore, #tpu.memory_space<semaphore_mem>>) src(%dma_wait3A_19 : memref<8x128xf32, #tpu.memory_space<hbm>>) dst(%arg8 : memref<8x128xf32, #tpu.memory_space<vmem>>)
      tpu.yield
    }) : () -> ()
    "tpu.region"() ({
      %run_scoped3A = tpu.sem_alloc : memref<!tpu.dma_semaphore, #tpu.memory_space<semaphore_mem>>
      %dma_start3A_12 = arith.constant 0 : i32
      %dma_start3A_13 = tpu.memref_slice %arg4[%mul3A_2, %dma_start3A_12] : memref<256x32xf32, #tpu.memory_space<hbm>> -> memref<8x32xf32, #tpu.memory_space<hbm>>
      %dma_start3A_14 = arith.constant 0 : i32
      %dma_start3A_15 = tpu.memref_slice %arg4[%mul3A_2, %dma_start3A_14] : memref<256x32xf32, #tpu.memory_space<hbm>> -> memref<8x32xf32, #tpu.memory_space<hbm>>
      tpu.enqueue_dma source(%dma_start3A_15 : memref<8x32xf32, #tpu.memory_space<hbm>>) target(%arg9 : memref<8x32xf32, #tpu.memory_space<vmem>>) target_semaphore(%run_scoped3A : memref<!tpu.dma_semaphore, #tpu.memory_space<semaphore_mem>>)
      %dma_wait3A_16 = arith.constant 0 : i32
      %dma_wait3A_17 = tpu.memref_slice %arg4[%mul3A_2, %dma_wait3A_16] : memref<256x32xf32, #tpu.memory_space<hbm>> -> memref<8x32xf32, #tpu.memory_space<hbm>>
      %dma_wait3A_18 = arith.constant 0 : i32
      %dma_wait3A_19 = tpu.memref_slice %arg4[%mul3A_2, %dma_wait3A_18] : memref<256x32xf32, #tpu.memory_space<hbm>> -> memref<8x32xf32, #tpu.memory_space<hbm>>
      tpu.wait_dma2 semaphore(%run_scoped3A : memref<!tpu.dma_semaphore, #tpu.memory_space<semaphore_mem>>) src(%dma_wait3A_19 : memref<8x32xf32, #tpu.memory_space<hbm>>) dst(%arg9 : memref<8x32xf32, #tpu.memory_space<vmem>>)
      tpu.yield
    }) : () -> ()
    %dma_start3A = arith.constant 0 : i32
    %dma_start3A_3 = arith.constant 0 : i32
    %dma_start3A_4 = tpu.memref_slice %arg2[%dma_start3A, %dma_start3A_3] : memref<50000x128xf32, #tpu.memory_space<hbm>> -> memref<50000x128xf32, #tpu.memory_space<hbm>>
    tpu.enqueue_indirect_dma source(%dma_start3A_4 : memref<50000x128xf32, #tpu.memory_space<hbm>>) target(%arg7 : memref<8x128xf32, #tpu.memory_space<vmem>>) offsets(%arg10 : memref<8xi32, #tpu.memory_space<vmem>>) semaphore(%arg11 : memref<!tpu.dma_semaphore, #tpu.memory_space<semaphore_mem>>)
    %dma_wait3A = arith.constant 0 : i32
    %dma_wait3A_5 = arith.constant 0 : i32
    %dma_wait3A_6 = tpu.memref_slice %arg2[%dma_wait3A, %dma_wait3A_5] : memref<50000x128xf32, #tpu.memory_space<hbm>> -> memref<50000x128xf32, #tpu.memory_space<hbm>>
    tpu.wait_indirect_dma semaphore(%arg11 : memref<!tpu.dma_semaphore, #tpu.memory_space<semaphore_mem>>) src(%dma_wait3A_6 : memref<50000x128xf32, #tpu.memory_space<hbm>>) dst(%arg7 : memref<8x128xf32, #tpu.memory_space<vmem>>)
    %scan3A = arith.constant 0 : i32
    %scan3A_7 = arith.constant 0 : i32
    %scan3A_8 = arith.constant 8 : i32
    %scan3A_9 = arith.addi %scan3A_7, %scan3A_8 : i32
    %scan3A_10 = arith.constant 1 : i32
    scf.for %scan3A_12 = %scan3A_7 to %scan3A_9 step %scan3A_10  : i32 {
      %get3A = arith.index_cast %scan3A_12 : i32 to index
      %get3A_13 = arith.constant 0 : index
      %get3A_14 = tpu.vector_load %arg9[%get3A, %get3A_13] {strides = array<i32>} : memref<8x32xf32, #tpu.memory_space<vmem>>, vector<1x16xf32>,
      %get3A_15 = vector.shape_cast %get3A_14 : vector<1x16xf32> to vector<16xf32>
      %get3A_16 = arith.index_cast %scan3A_12 : i32 to index
      %get3A_17 = arith.constant 0 : index
      %get3A_18 = tpu.vector_load %arg7[%get3A_16, %get3A_17] {strides = array<i32>} : memref<8x128xf32, #tpu.memory_space<vmem>>, vector<1x16xf32>,
      %get3A_19 = vector.shape_cast %get3A_18 : vector<1x16xf32> to vector<16xf32>
      %get3A_20 = arith.index_cast %scan3A_12 : i32 to index
      %get3A_21 = arith.constant 0 : index
      %get3A_22 = tpu.vector_load %arg8[%get3A_20, %get3A_21] {strides = array<i32>} : memref<8x128xf32, #tpu.memory_space<vmem>>, vector<1x16xf32>,
      %get3A_23 = vector.shape_cast %get3A_22 : vector<1x16xf32> to vector<16xf32>
      %sub3A = arith.subf %get3A_23, %get3A_19 : vector<16xf32>
      %mul3A_24 = arith.mulf %get3A_15, %sub3A : vector<16xf32>
      %add3A_25 = arith.addf %get3A_19, %mul3A_24 : vector<16xf32>
      %swap3A = arith.index_cast %scan3A_12 : i32 to index
      %swap3A_26 = arith.constant 0 : index
      %swap3A_27 = tpu.vector_load %arg7[%swap3A, %swap3A_26] {strides = array<i32>} : memref<8x128xf32, #tpu.memory_space<vmem>>, vector<1x16xf32>,
      %swap3A_28 = vector.shape_cast %swap3A_27 : vector<1x16xf32> to vector<16xf32>
      %swap3A_29 = vector.shape_cast %add3A_25 : vector<16xf32> to vector<1x16xf32>
      tpu.vector_store %arg7[%swap3A, %swap3A_26], %swap3A_29 {strides = array<i32>} : memref<8x128xf32, #tpu.memory_space<vmem>>, vector<1x16xf32>,
      %get3A_30 = arith.index_cast %scan3A_12 : i32 to index
      %get3A_31 = arith.constant 0 : index
      %get3A_32 = tpu.vector_load %arg9[%get3A_30, %get3A_31] {strides = array<i32>} : memref<8x32xf32, #tpu.memory_space<vmem>>, vector<1x16xf32>,
      %get3A_33 = vector.shape_cast %get3A_32 : vector<1x16xf32> to vector<16xf32>
      %get3A_34 = arith.index_cast %scan3A_12 : i32 to index
      %get3A_35 = arith.constant 16 : index
      %get3A_36 = tpu.vector_load %arg7[%get3A_34, %get3A_35] {strides = array<i32>} : memref<8x128xf32, #tpu.memory_space<vmem>>, vector<1x16xf32>,
      %get3A_37 = vector.shape_cast %get3A_36 : vector<1x16xf32> to vector<16xf32>
      %get3A_38 = arith.index_cast %scan3A_12 : i32 to index
      %get3A_39 = arith.constant 16 : index
      %get3A_40 = tpu.vector_load %arg8[%get3A_38, %get3A_39] {strides = array<i32>} : memref<8x128xf32, #tpu.memory_space<vmem>>, vector<1x16xf32>,
      %get3A_41 = vector.shape_cast %get3A_40 : vector<1x16xf32> to vector<16xf32>
      %sub3A_42 = arith.subf %get3A_41, %get3A_37 : vector<16xf32>
      %mul3A_43 = arith.mulf %get3A_33, %sub3A_42 : vector<16xf32>
      %add3A_44 = arith.addf %get3A_37, %mul3A_43 : vector<16xf32>
      %swap3A_45 = arith.index_cast %scan3A_12 : i32 to index
      %swap3A_46 = arith.constant 16 : index
      %swap3A_47 = tpu.vector_load %arg7[%swap3A_45, %swap3A_46] {strides = array<i32>} : memref<8x128xf32, #tpu.memory_space<vmem>>, vector<1x16xf32>,
      %swap3A_48 = vector.shape_cast %swap3A_47 : vector<1x16xf32> to vector<16xf32>
      %swap3A_49 = vector.shape_cast %add3A_44 : vector<16xf32> to vector<1x16xf32>
      tpu.vector_store %arg7[%swap3A_45, %swap3A_46], %swap3A_49 {strides = array<i32>} : memref<8x128xf32, #tpu.memory_space<vmem>>, vector<1x16xf32>,
      %get3A_50 = arith.index_cast %scan3A_12 : i32 to index
      %get3A_51 = arith.constant 0 : index
      %get3A_52 = tpu.vector_load %arg9[%get3A_50, %get3A_51] {strides = array<i32>} : memref<8x32xf32, #tpu.memory_space<vmem>>, vector<1x16xf32>,
      %get3A_53 = vector.shape_cast %get3A_52 : vector<1x16xf32> to vector<16xf32>
      %get3A_54 = arith.index_cast %scan3A_12 : i32 to index
      %get3A_55 = arith.constant 32 : index
      %get3A_56 = tpu.vector_load %arg7[%get3A_54, %get3A_55] {strides = array<i32>} : memref<8x128xf32, #tpu.memory_space<vmem>>, vector<1x16xf32>,
      %get3A_57 = vector.shape_cast %get3A_56 : vector<1x16xf32> to vector<16xf32>
      %get3A_58 = arith.index_cast %scan3A_12 : i32 to index
      %get3A_59 = arith.constant 32 : index
      %get3A_60 = tpu.vector_load %arg8[%get3A_58, %get3A_59] {strides = array<i32>} : memref<8x128xf32, #tpu.memory_space<vmem>>, vector<1x16xf32>,
      %get3A_61 = vector.shape_cast %get3A_60 : vector<1x16xf32> to vector<16xf32>
      %sub3A_62 = arith.subf %get3A_61, %get3A_57 : vector<16xf32>
      %mul3A_63 = arith.mulf %get3A_53, %sub3A_62 : vector<16xf32>
      %add3A_64 = arith.addf %get3A_57, %mul3A_63 : vector<16xf32>
      %swap3A_65 = arith.index_cast %scan3A_12 : i32 to index
      %swap3A_66 = arith.constant 32 : index
      %swap3A_67 = tpu.vector_load %arg7[%swap3A_65, %swap3A_66] {strides = array<i32>} : memref<8x128xf32, #tpu.memory_space<vmem>>, vector<1x16xf32>,
      %swap3A_68 = vector.shape_cast %swap3A_67 : vector<1x16xf32> to vector<16xf32>
      %swap3A_69 = vector.shape_cast %add3A_64 : vector<16xf32> to vector<1x16xf32>
      tpu.vector_store %arg7[%swap3A_65, %swap3A_66], %swap3A_69 {strides = array<i32>} : memref<8x128xf32, #tpu.memory_space<vmem>>, vector<1x16xf32>,
      %get3A_70 = arith.index_cast %scan3A_12 : i32 to index
      %get3A_71 = arith.constant 0 : index
      %get3A_72 = tpu.vector_load %arg9[%get3A_70, %get3A_71] {strides = array<i32>} : memref<8x32xf32, #tpu.memory_space<vmem>>, vector<1x16xf32>,
      %get3A_73 = vector.shape_cast %get3A_72 : vector<1x16xf32> to vector<16xf32>
      %get3A_74 = arith.index_cast %scan3A_12 : i32 to index
      %get3A_75 = arith.constant 48 : index
      %get3A_76 = tpu.vector_load %arg7[%get3A_74, %get3A_75] {strides = array<i32>} : memref<8x128xf32, #tpu.memory_space<vmem>>, vector<1x16xf32>,
      %get3A_77 = vector.shape_cast %get3A_76 : vector<1x16xf32> to vector<16xf32>
      %get3A_78 = arith.index_cast %scan3A_12 : i32 to index
      %get3A_79 = arith.constant 48 : index
      %get3A_80 = tpu.vector_load %arg8[%get3A_78, %get3A_79] {strides = array<i32>} : memref<8x128xf32, #tpu.memory_space<vmem>>, vector<1x16xf32>,
      %get3A_81 = vector.shape_cast %get3A_80 : vector<1x16xf32> to vector<16xf32>
      %sub3A_82 = arith.subf %get3A_81, %get3A_77 : vector<16xf32>
      %mul3A_83 = arith.mulf %get3A_73, %sub3A_82 : vector<16xf32>
      %add3A_84 = arith.addf %get3A_77, %mul3A_83 : vector<16xf32>
      %swap3A_85 = arith.index_cast %scan3A_12 : i32 to index
      %swap3A_86 = arith.constant 48 : index
      %swap3A_87 = tpu.vector_load %arg7[%swap3A_85, %swap3A_86] {strides = array<i32>} : memref<8x128xf32, #tpu.memory_space<vmem>>, vector<1x16xf32>,
      %swap3A_88 = vector.shape_cast %swap3A_87 : vector<1x16xf32> to vector<16xf32>
      %swap3A_89 = vector.shape_cast %add3A_84 : vector<16xf32> to vector<1x16xf32>
      tpu.vector_store %arg7[%swap3A_85, %swap3A_86], %swap3A_89 {strides = array<i32>} : memref<8x128xf32, #tpu.memory_space<vmem>>, vector<1x16xf32>,
      %get3A_90 = arith.index_cast %scan3A_12 : i32 to index
      %get3A_91 = arith.constant 16 : index
      %get3A_92 = tpu.vector_load %arg9[%get3A_90, %get3A_91] {strides = array<i32>} : memref<8x32xf32, #tpu.memory_space<vmem>>, vector<1x16xf32>,
      %get3A_93 = vector.shape_cast %get3A_92 : vector<1x16xf32> to vector<16xf32>
      %get3A_94 = arith.index_cast %scan3A_12 : i32 to index
      %get3A_95 = arith.constant 64 : index
      %get3A_96 = tpu.vector_load %arg7[%get3A_94, %get3A_95] {strides = array<i32>} : memref<8x128xf32, #tpu.memory_space<vmem>>, vector<1x16xf32>,
      %get3A_97 = vector.shape_cast %get3A_96 : vector<1x16xf32> to vector<16xf32>
      %get3A_98 = arith.index_cast %scan3A_12 : i32 to index
      %get3A_99 = arith.constant 64 : index
      %get3A_100 = tpu.vector_load %arg8[%get3A_98, %get3A_99] {strides = array<i32>} : memref<8x128xf32, #tpu.memory_space<vmem>>, vector<1x16xf32>,
      %get3A_101 = vector.shape_cast %get3A_100 : vector<1x16xf32> to vector<16xf32>
      %sub3A_102 = arith.subf %get3A_101, %get3A_97 : vector<16xf32>
      %mul3A_103 = arith.mulf %get3A_93, %sub3A_102 : vector<16xf32>
      %add3A_104 = arith.addf %get3A_97, %mul3A_103 : vector<16xf32>
      %swap3A_105 = arith.index_cast %scan3A_12 : i32 to index
      %swap3A_106 = arith.constant 64 : index
      %swap3A_107 = tpu.vector_load %arg7[%swap3A_105, %swap3A_106] {strides = array<i32>} : memref<8x128xf32, #tpu.memory_space<vmem>>, vector<1x16xf32>,
      %swap3A_108 = vector.shape_cast %swap3A_107 : vector<1x16xf32> to vector<16xf32>
      %swap3A_109 = vector.shape_cast %add3A_104 : vector<16xf32> to vector<1x16xf32>
      tpu.vector_store %arg7[%swap3A_105, %swap3A_106], %swap3A_109 {strides = array<i32>} : memref<8x128xf32, #tpu.memory_space<vmem>>, vector<1x16xf32>,
      %get3A_110 = arith.index_cast %scan3A_12 : i32 to index
      %get3A_111 = arith.constant 16 : index
      %get3A_112 = tpu.vector_load %arg9[%get3A_110, %get3A_111] {strides = array<i32>} : memref<8x32xf32, #tpu.memory_space<vmem>>, vector<1x16xf32>,
      %get3A_113 = vector.shape_cast %get3A_112 : vector<1x16xf32> to vector<16xf32>
      %get3A_114 = arith.index_cast %scan3A_12 : i32 to index
      %get3A_115 = arith.constant 80 : index
      %get3A_116 = tpu.vector_load %arg7[%get3A_114, %get3A_115] {strides = array<i32>} : memref<8x128xf32, #tpu.memory_space<vmem>>, vector<1x16xf32>,
      %get3A_117 = vector.shape_cast %get3A_116 : vector<1x16xf32> to vector<16xf32>
      %get3A_118 = arith.index_cast %scan3A_12 : i32 to index
      %get3A_119 = arith.constant 80 : index
      %get3A_120 = tpu.vector_load %arg8[%get3A_118, %get3A_119] {strides = array<i32>} : memref<8x128xf32, #tpu.memory_space<vmem>>, vector<1x16xf32>,
      %get3A_121 = vector.shape_cast %get3A_120 : vector<1x16xf32> to vector<16xf32>
      %sub3A_122 = arith.subf %get3A_121, %get3A_117 : vector<16xf32>
      %mul3A_123 = arith.mulf %get3A_113, %sub3A_122 : vector<16xf32>
      %add3A_124 = arith.addf %get3A_117, %mul3A_123 : vector<16xf32>
      %swap3A_125 = arith.index_cast %scan3A_12 : i32 to index
      %swap3A_126 = arith.constant 80 : index
      %swap3A_127 = tpu.vector_load %arg7[%swap3A_125, %swap3A_126] {strides = array<i32>} : memref<8x128xf32, #tpu.memory_space<vmem>>, vector<1x16xf32>,
      %swap3A_128 = vector.shape_cast %swap3A_127 : vector<1x16xf32> to vector<16xf32>
      %swap3A_129 = vector.shape_cast %add3A_124 : vector<16xf32> to vector<1x16xf32>
      tpu.vector_store %arg7[%swap3A_125, %swap3A_126], %swap3A_129 {strides = array<i32>} : memref<8x128xf32, #tpu.memory_space<vmem>>, vector<1x16xf32>,
      %get3A_130 = arith.index_cast %scan3A_12 : i32 to index
      %get3A_131 = arith.constant 16 : index
      %get3A_132 = tpu.vector_load %arg9[%get3A_130, %get3A_131] {strides = array<i32>} : memref<8x32xf32, #tpu.memory_space<vmem>>, vector<1x16xf32>,
      %get3A_133 = vector.shape_cast %get3A_132 : vector<1x16xf32> to vector<16xf32>
      %get3A_134 = arith.index_cast %scan3A_12 : i32 to index
      %get3A_135 = arith.constant 96 : index
      %get3A_136 = tpu.vector_load %arg7[%get3A_134, %get3A_135] {strides = array<i32>} : memref<8x128xf32, #tpu.memory_space<vmem>>, vector<1x16xf32>,
      %get3A_137 = vector.shape_cast %get3A_136 : vector<1x16xf32> to vector<16xf32>
      %get3A_138 = arith.index_cast %scan3A_12 : i32 to index
      %get3A_139 = arith.constant 96 : index
      %get3A_140 = tpu.vector_load %arg8[%get3A_138, %get3A_139] {strides = array<i32>} : memref<8x128xf32, #tpu.memory_space<vmem>>, vector<1x16xf32>,
      %get3A_141 = vector.shape_cast %get3A_140 : vector<1x16xf32> to vector<16xf32>
      %sub3A_142 = arith.subf %get3A_141, %get3A_137 : vector<16xf32>
      %mul3A_143 = arith.mulf %get3A_133, %sub3A_142 : vector<16xf32>
      %add3A_144 = arith.addf %get3A_137, %mul3A_143 : vector<16xf32>
      %swap3A_145 = arith.index_cast %scan3A_12 : i32 to index
      %swap3A_146 = arith.constant 96 : index
      %swap3A_147 = tpu.vector_load %arg7[%swap3A_145, %swap3A_146] {strides = array<i32>} : memref<8x128xf32, #tpu.memory_space<vmem>>, vector<1x16xf32>,
      %swap3A_148 = vector.shape_cast %swap3A_147 : vector<1x16xf32> to vector<16xf32>
      %swap3A_149 = vector.shape_cast %add3A_144 : vector<16xf32> to vector<1x16xf32>
      tpu.vector_store %arg7[%swap3A_145, %swap3A_146], %swap3A_149 {strides = array<i32>} : memref<8x128xf32, #tpu.memory_space<vmem>>, vector<1x16xf32>,
      %get3A_150 = arith.index_cast %scan3A_12 : i32 to index
      %get3A_151 = arith.constant 16 : index
      %get3A_152 = tpu.vector_load %arg9[%get3A_150, %get3A_151] {strides = array<i32>} : memref<8x32xf32, #tpu.memory_space<vmem>>, vector<1x16xf32>,
      %get3A_153 = vector.shape_cast %get3A_152 : vector<1x16xf32> to vector<16xf32>
      %get3A_154 = arith.index_cast %scan3A_12 : i32 to index
      %get3A_155 = arith.constant 112 : index
      %get3A_156 = tpu.vector_load %arg7[%get3A_154, %get3A_155] {strides = array<i32>} : memref<8x128xf32, #tpu.memory_space<vmem>>, vector<1x16xf32>,
      %get3A_157 = vector.shape_cast %get3A_156 : vector<1x16xf32> to vector<16xf32>
      %get3A_158 = arith.index_cast %scan3A_12 : i32 to index
      %get3A_159 = arith.constant 112 : index
      %get3A_160 = tpu.vector_load %arg8[%get3A_158, %get3A_159] {strides = array<i32>} : memref<8x128xf32, #tpu.memory_space<vmem>>, vector<1x16xf32>,
      %get3A_161 = vector.shape_cast %get3A_160 : vector<1x16xf32> to vector<16xf32>
      %sub3A_162 = arith.subf %get3A_161, %get3A_157 : vector<16xf32>
      %mul3A_163 = arith.mulf %get3A_153, %sub3A_162 : vector<16xf32>
      %add3A_164 = arith.addf %get3A_157, %mul3A_163 : vector<16xf32>
      %swap3A_165 = arith.index_cast %scan3A_12 : i32 to index
      %swap3A_166 = arith.constant 112 : index
      %swap3A_167 = tpu.vector_load %arg7[%swap3A_165, %swap3A_166] {strides = array<i32>} : memref<8x128xf32, #tpu.memory_space<vmem>>, vector<1x16xf32>,
      %swap3A_168 = vector.shape_cast %swap3A_167 : vector<1x16xf32> to vector<16xf32>
      %swap3A_169 = vector.shape_cast %add3A_164 : vector<16xf32> to vector<1x16xf32>
      tpu.vector_store %arg7[%swap3A_165, %swap3A_166], %swap3A_169 {strides = array<i32>} : memref<8x128xf32, #tpu.memory_space<vmem>>, vector<1x16xf32>,
    }
    %scan3A_11 = arith.constant 8 : i32
    "tpu.region"() ({
      %run_scoped3A = tpu.sem_alloc : memref<!tpu.dma_semaphore, #tpu.memory_space<semaphore_mem>>
      %dma_start3A_12 = arith.constant 0 : i32
      %dma_start3A_13 = tpu.memref_slice %arg6[%mul3A_2, %dma_start3A_12] : memref<256x128xf32, #tpu.memory_space<hbm>> -> memref<8x128xf32, #tpu.memory_space<hbm>>
      %dma_start3A_14 = arith.constant 0 : i32
      %dma_start3A_15 = tpu.memref_slice %arg6[%mul3A_2, %dma_start3A_14] : memref<256x128xf32, #tpu.memory_space<hbm>> -> memref<8x128xf32, #tpu.memory_space<hbm>>
      tpu.enqueue_dma source(%arg7 : memref<8x128xf32, #tpu.memory_space<vmem>>) target(%dma_start3A_15 : memref<8x128xf32, #tpu.memory_space<hbm>>) target_semaphore(%run_scoped3A : memref<!tpu.dma_semaphore, #tpu.memory_space<semaphore_mem>>)
      %dma_wait3A_16 = arith.constant 0 : i32
      %dma_wait3A_17 = tpu.memref_slice %arg6[%mul3A_2, %dma_wait3A_16] : memref<256x128xf32, #tpu.memory_space<hbm>> -> memref<8x128xf32, #tpu.memory_space<hbm>>
      %dma_wait3A_18 = arith.constant 0 : i32
      %dma_wait3A_19 = tpu.memref_slice %arg6[%mul3A_2, %dma_wait3A_18] : memref<256x128xf32, #tpu.memory_space<hbm>> -> memref<8x128xf32, #tpu.memory_space<hbm>>
      tpu.wait_dma2 semaphore(%run_scoped3A : memref<!tpu.dma_semaphore, #tpu.memory_space<semaphore_mem>>) src(%arg7 : memref<8x128xf32, #tpu.memory_space<vmem>>) dst(%dma_wait3A_19 : memref<8x128xf32, #tpu.memory_space<hbm>>)
      tpu.yield
    }) : () -> ()
    return
  }
}

module attributes {stable_mosaic.version = 14 : i64} {
  func.func @_tc_body(%arg0: i32, %arg1: memref<4000x64xf32, #tpu.memory_space<vmem>>, %arg2: memref<8x64xi32, #tpu.memory_space<vmem>>, %arg3: memref<256x128xf32, #tpu.memory_space<vmem>>, %arg4: memref<256x1xf32, #tpu.memory_space<vmem>>, %arg5: memref<4x4000x64xf32, #tpu.memory_space<vmem>>) attributes {dimension_semantics = [#tpu.dimension_semantics<arbitrary>], iteration_bounds = array<i64: 25>, scalar_prefetch = 0 : i64, scratch_operands = 0 : i64, tpu.core_type = #tpu.core_type<tc>, window_params = [{transform_indices = @transform_0, window_bounds = array<i64: 4000, 64>}, {pipeline_mode = #tpu.pipeline_mode<synchronous>, transform_indices = @transform_1, window_bounds = array<i64: 8, 64>}, {pipeline_mode = #tpu.pipeline_mode<synchronous>, transform_indices = @transform_2, window_bounds = array<i64: 256, 128>}, {pipeline_mode = #tpu.pipeline_mode<synchronous>, transform_indices = @transform_3, window_bounds = array<i64: 256, 1>}, {transform_indices = @transform_4, window_bounds = array<i64: 4, 4000, 64>}]} {
    %mul3A = arith.constant 4000 : i32
    %mul3A_0 = arith.muli %arg0, %mul3A : i32
    %get3A = arith.constant 0 : index
    %get3A_1 = arith.constant 0 : index
    %get3A_2 = vector.load %arg1[%get3A, %get3A_1] : memref<4000x64xf32, #tpu.memory_space<vmem>>, vector<4000x64xf32>
    %get3A_3 = arith.constant 0 : index
    %get3A_4 = arith.constant 0 : index
    %get3A_5 = vector.load %arg4[%get3A_3, %get3A_4] : memref<256x1xf32, #tpu.memory_space<vmem>>, vector<256x1xf32>
    %gt3A = arith.constant 0.000000e+00 : f32
    %gt3A_6 = vector.broadcast %gt3A : f32 to vector<256x1xf32>
    %gt3A_7 = arith.cmpf ogt, %get3A_5, %gt3A_6 : vector<256x1xf32>
    %get3A_8 = arith.constant 0 : index
    %get3A_9 = arith.constant 64 : index
    %get3A_10 = vector.load %arg3[%get3A_8, %get3A_9] : memref<256x128xf32, #tpu.memory_space<vmem>>, vector<256x64xf32>
    %get3A_11 = arith.constant 0 : index
    %get3A_12 = arith.constant 0 : index
    %get3A_13 = vector.load %arg3[%get3A_11, %get3A_12] : memref<256x128xf32, #tpu.memory_space<vmem>>, vector<256x64xf32>
    %broadcast_in_dim3A = vector.shape_cast %gt3A_7 : vector<256x1xi1> to vector<256x1xi1>
    %broadcast_in_dim3A_14 = vector.broadcast %broadcast_in_dim3A : vector<256x1xi1> to vector<256x64xi1>
    %select_n3A = arith.select %broadcast_in_dim3A_14, %get3A_10, %get3A_13 : vector<256x64xi1>, vector<256x64xf32>
    %iota3A = tpu.iota {dimensions = array<i32: 0>} : vector<4000x64xi32>
    %add3A = vector.broadcast %mul3A_0 : i32 to vector<4000x64xi32>
    %add3A_15 = arith.addi %iota3A, %add3A : vector<4000x64xi32>
    %iota3A_16 = tpu.iota {dimensions = array<i32: 0>} : vector<64x64xi32>
    %iota3A_17 = tpu.iota {dimensions = array<i32: 1>} : vector<64x64xi32>
    %gt3A_18 = arith.cmpi sgt, %iota3A_17, %iota3A_16 : vector<64x64xi32>
    %get3A_19 = arith.constant 0 : index
    %get3A_20 = arith.constant 0 : index
    %get3A_21 = vector.load %arg2[%get3A_19, %get3A_20] : memref<8x64xi32, #tpu.memory_space<vmem>>, vector<1x64xi32>
    %get3A_22 = vector.shape_cast %get3A_21 : vector<1x64xi32> to vector<64xi32>
    %reshape3A = vector.shape_cast %get3A_22 : vector<64xi32> to vector<1x64xi32>
    %reshape3A_23 = vector.shape_cast %reshape3A : vector<1x64xi32> to vector<64x1xi32>
    %eq3A = vector.broadcast %reshape3A_23 : vector<64x1xi32> to vector<64x64xi32>
    %eq3A_24 = vector.broadcast %reshape3A : vector<1x64xi32> to vector<64x64xi32>
    %eq3A_25 = arith.cmpi eq, %eq3A, %eq3A_24 : vector<64x64xi32>
    %and3A = arith.andi %eq3A_25, %gt3A_18 : vector<64x64xi1>
    %reduce_or3A = arith.constant 1.000000e+00 : f32
    %reduce_or3A_26 = arith.constant 0.000000e+00 : f32
    %reduce_or3A_27 = vector.broadcast %reduce_or3A : f32 to vector<64x64xf32>
    %reduce_or3A_28 = vector.broadcast %reduce_or3A_26 : f32 to vector<64x64xf32>
    %reduce_or3A_29 = arith.select %and3A, %reduce_or3A_27, %reduce_or3A_28 : vector<64x64xi1>, vector<64x64xf32>
    %reduce_or3A_30 = arith.constant dense<0xFF800000> : vector<64xf32>
    %reduce_or3A_31 = vector.multi_reduction <maximumf>, %reduce_or3A_29, %reduce_or3A_30 [1] : vector<64x64xf32> to vector<64xf32>
    %reduce_or3A_32 = arith.constant 0.000000e+00 : f32
    %reduce_or3A_33 = vector.broadcast %reduce_or3A_32 : f32 to vector<64xf32>
    %reduce_or3A_34 = arith.cmpf ogt, %reduce_or3A_31, %reduce_or3A_33 : vector<64xf32>
    %broadcast_in_dim3A_35 = vector.shape_cast %reduce_or3A_34 : vector<64xi1> to vector<64x1xi1>
    %not3A = arith.constant dense<true> : vector<64x1xi1>
    %not3A_36 = arith.xori %broadcast_in_dim3A_35, %not3A : vector<64x1xi1>
    %reshape3A_37 = vector.shape_cast %not3A_36 : vector<64x1xi1> to vector<1x64xi1>
    %eq3A_38 = vector.broadcast %reshape3A : vector<1x64xi32> to vector<4000x64xi32>
    %eq3A_39 = arith.cmpi eq, %add3A_15, %eq3A_38 : vector<4000x64xi32>
    %and3A_40 = vector.broadcast %reshape3A_37 : vector<1x64xi1> to vector<4000x64xi1>
    %and3A_41 = arith.andi %eq3A_39, %and3A_40 : vector<4000x64xi1>
    %convert_element_type3A = arith.extui %and3A_41 : vector<4000x64xi1> to vector<4000x64xi32>
    %convert_element_type3A_42 = arith.sitofp %convert_element_type3A : vector<4000x64xi32> to vector<4000x64xf32>
    %reduce_max3A = arith.constant dense<0xFF800000> : vector<4000xf32>
    %reduce_max3A_43 = vector.multi_reduction <maximumf>, %convert_element_type3A_42, %reduce_max3A [1] : vector<4000x64xf32> to vector<4000xf32>
    %broadcast_in_dim3A_44 = vector.shape_cast %reduce_max3A_43 : vector<4000xf32> to vector<4000x1xf32>
    %slice3A = vector.extract_strided_slice %select_n3A {offsets = [0, 0], sizes = [64, 64], strides = [1, 1]} : vector<256x64xf32> to vector<64x64xf32>
    %dot_general3A = arith.constant dense<0.000000e+00> : vector<4000x64xf32>
    %dot_general3A_45 = tpu.matmul %convert_element_type3A_42, %slice3A, %dot_general3A {dimension_numbers = #tpu.dot_dimension_numbers<[1], [0], [0], [1], [0, 0, 1, 1], [], []>, transpose_lhs_hint = false} : vector<4000x64xf32>, vector<64x64xf32>, vector<4000x64xf32> -> vector<4000x64xf32>
    %sub3A = arith.constant 1.000000e+00 : f32
    %sub3A_46 = vector.broadcast %sub3A : f32 to vector<4000x1xf32>
    %sub3A_47 = arith.subf %sub3A_46, %broadcast_in_dim3A_44 : vector<4000x1xf32>
    %mul3A_48 = vector.broadcast %sub3A_47 : vector<4000x1xf32> to vector<4000x64xf32>
    %mul3A_49 = arith.mulf %get3A_2, %mul3A_48 : vector<4000x64xf32>
    %add3A_50 = arith.addf %mul3A_49, %dot_general3A_45 : vector<4000x64xf32>
    %swap3A = arith.constant 0 : index
    %swap3A_51 = arith.constant 0 : index
    %swap3A_52 = arith.constant 0 : index
    %swap3A_53 = vector.load %arg5[%swap3A, %swap3A_51, %swap3A_52] : memref<4x4000x64xf32, #tpu.memory_space<vmem>>, vector<1x4000x64xf32>
    %swap3A_54 = vector.shape_cast %swap3A_53 : vector<1x4000x64xf32> to vector<4000x64xf32>
    %swap3A_55 = vector.shape_cast %add3A_50 : vector<4000x64xf32> to vector<1x4000x64xf32>
    tpu.vector_store %arg5[%swap3A, %swap3A_51, %swap3A_52], %swap3A_55 {strides = array<i32>} : memref<4x4000x64xf32, #tpu.memory_space<vmem>>, vector<1x4000x64xf32>,
    %get3A_56 = arith.constant 1 : index
    %get3A_57 = arith.constant 0 : index
    %get3A_58 = vector.load %arg2[%get3A_56, %get3A_57] : memref<8x64xi32, #tpu.memory_space<vmem>>, vector<1x64xi32>
    %get3A_59 = vector.shape_cast %get3A_58 : vector<1x64xi32> to vector<64xi32>
    %reshape3A_60 = vector.shape_cast %get3A_59 : vector<64xi32> to vector<1x64xi32>
    %reshape3A_61 = vector.shape_cast %reshape3A_60 : vector<1x64xi32> to vector<64x1xi32>
    %eq3A_62 = vector.broadcast %reshape3A_61 : vector<64x1xi32> to vector<64x64xi32>
    %eq3A_63 = vector.broadcast %reshape3A_60 : vector<1x64xi32> to vector<64x64xi32>
    %eq3A_64 = arith.cmpi eq, %eq3A_62, %eq3A_63 : vector<64x64xi32>
    %and3A_65 = arith.andi %eq3A_64, %gt3A_18 : vector<64x64xi1>
    %reduce_or3A_66 = arith.constant 1.000000e+00 : f32
    %reduce_or3A_67 = arith.constant 0.000000e+00 : f32
    %reduce_or3A_68 = vector.broadcast %reduce_or3A_66 : f32 to vector<64x64xf32>
    %reduce_or3A_69 = vector.broadcast %reduce_or3A_67 : f32 to vector<64x64xf32>
    %reduce_or3A_70 = arith.select %and3A_65, %reduce_or3A_68, %reduce_or3A_69 : vector<64x64xi1>, vector<64x64xf32>
    %reduce_or3A_71 = arith.constant dense<0xFF800000> : vector<64xf32>
    %reduce_or3A_72 = vector.multi_reduction <maximumf>, %reduce_or3A_70, %reduce_or3A_71 [1] : vector<64x64xf32> to vector<64xf32>
    %reduce_or3A_73 = arith.constant 0.000000e+00 : f32
    %reduce_or3A_74 = vector.broadcast %reduce_or3A_73 : f32 to vector<64xf32>
    %reduce_or3A_75 = arith.cmpf ogt, %reduce_or3A_72, %reduce_or3A_74 : vector<64xf32>
    %broadcast_in_dim3A_76 = vector.shape_cast %reduce_or3A_75 : vector<64xi1> to vector<64x1xi1>
    %not3A_77 = arith.constant dense<true> : vector<64x1xi1>
    %not3A_78 = arith.xori %broadcast_in_dim3A_76, %not3A_77 : vector<64x1xi1>
    %reshape3A_79 = vector.shape_cast %not3A_78 : vector<64x1xi1> to vector<1x64xi1>
    %eq3A_80 = vector.broadcast %reshape3A_60 : vector<1x64xi32> to vector<4000x64xi32>
    %eq3A_81 = arith.cmpi eq, %add3A_15, %eq3A_80 : vector<4000x64xi32>
    %and3A_82 = vector.broadcast %reshape3A_79 : vector<1x64xi1> to vector<4000x64xi1>
    %and3A_83 = arith.andi %eq3A_81, %and3A_82 : vector<4000x64xi1>
    %convert_element_type3A_84 = arith.extui %and3A_83 : vector<4000x64xi1> to vector<4000x64xi32>
    %convert_element_type3A_85 = arith.sitofp %convert_element_type3A_84 : vector<4000x64xi32> to vector<4000x64xf32>
    %reduce_max3A_86 = arith.constant dense<0xFF800000> : vector<4000xf32>
    %reduce_max3A_87 = vector.multi_reduction <maximumf>, %convert_element_type3A_85, %reduce_max3A_86 [1] : vector<4000x64xf32> to vector<4000xf32>
    %broadcast_in_dim3A_88 = vector.shape_cast %reduce_max3A_87 : vector<4000xf32> to vector<4000x1xf32>
    %slice3A_89 = vector.extract_strided_slice %select_n3A {offsets = [64, 0], sizes = [64, 64], strides = [1, 1]} : vector<256x64xf32> to vector<64x64xf32>
    %dot_general3A_90 = arith.constant dense<0.000000e+00> : vector<4000x64xf32>
    %dot_general3A_91 = tpu.matmul %convert_element_type3A_85, %slice3A_89, %dot_general3A_90 {dimension_numbers = #tpu.dot_dimension_numbers<[1], [0], [0], [1], [0, 0, 1, 1], [], []>, transpose_lhs_hint = false} : vector<4000x64xf32>, vector<64x64xf32>, vector<4000x64xf32> -> vector<4000x64xf32>
    %sub3A_92 = arith.constant 1.000000e+00 : f32
    %sub3A_93 = vector.broadcast %sub3A_92 : f32 to vector<4000x1xf32>
    %sub3A_94 = arith.subf %sub3A_93, %broadcast_in_dim3A_88 : vector<4000x1xf32>
    %mul3A_95 = vector.broadcast %sub3A_94 : vector<4000x1xf32> to vector<4000x64xf32>
    %mul3A_96 = arith.mulf %get3A_2, %mul3A_95 : vector<4000x64xf32>
    %add3A_97 = arith.addf %mul3A_96, %dot_general3A_91 : vector<4000x64xf32>
    %swap3A_98 = arith.constant 1 : index
    %swap3A_99 = arith.constant 0 : index
    %swap3A_100 = arith.constant 0 : index
    %swap3A_101 = vector.load %arg5[%swap3A_98, %swap3A_99, %swap3A_100] : memref<4x4000x64xf32, #tpu.memory_space<vmem>>, vector<1x4000x64xf32>
    %swap3A_102 = vector.shape_cast %swap3A_101 : vector<1x4000x64xf32> to vector<4000x64xf32>
    %swap3A_103 = vector.shape_cast %add3A_97 : vector<4000x64xf32> to vector<1x4000x64xf32>
    tpu.vector_store %arg5[%swap3A_98, %swap3A_99, %swap3A_100], %swap3A_103 {strides = array<i32>} : memref<4x4000x64xf32, #tpu.memory_space<vmem>>, vector<1x4000x64xf32>,
    %get3A_104 = arith.constant 2 : index
    %get3A_105 = arith.constant 0 : index
    %get3A_106 = vector.load %arg2[%get3A_104, %get3A_105] : memref<8x64xi32, #tpu.memory_space<vmem>>, vector<1x64xi32>
    %get3A_107 = vector.shape_cast %get3A_106 : vector<1x64xi32> to vector<64xi32>
    %reshape3A_108 = vector.shape_cast %get3A_107 : vector<64xi32> to vector<1x64xi32>
    %reshape3A_109 = vector.shape_cast %reshape3A_108 : vector<1x64xi32> to vector<64x1xi32>
    %eq3A_110 = vector.broadcast %reshape3A_109 : vector<64x1xi32> to vector<64x64xi32>
    %eq3A_111 = vector.broadcast %reshape3A_108 : vector<1x64xi32> to vector<64x64xi32>
    %eq3A_112 = arith.cmpi eq, %eq3A_110, %eq3A_111 : vector<64x64xi32>
    %and3A_113 = arith.andi %eq3A_112, %gt3A_18 : vector<64x64xi1>
    %reduce_or3A_114 = arith.constant 1.000000e+00 : f32
    %reduce_or3A_115 = arith.constant 0.000000e+00 : f32
    %reduce_or3A_116 = vector.broadcast %reduce_or3A_114 : f32 to vector<64x64xf32>
    %reduce_or3A_117 = vector.broadcast %reduce_or3A_115 : f32 to vector<64x64xf32>
    %reduce_or3A_118 = arith.select %and3A_113, %reduce_or3A_116, %reduce_or3A_117 : vector<64x64xi1>, vector<64x64xf32>
    %reduce_or3A_119 = arith.constant dense<0xFF800000> : vector<64xf32>
    %reduce_or3A_120 = vector.multi_reduction <maximumf>, %reduce_or3A_118, %reduce_or3A_119 [1] : vector<64x64xf32> to vector<64xf32>
    %reduce_or3A_121 = arith.constant 0.000000e+00 : f32
    %reduce_or3A_122 = vector.broadcast %reduce_or3A_121 : f32 to vector<64xf32>
    %reduce_or3A_123 = arith.cmpf ogt, %reduce_or3A_120, %reduce_or3A_122 : vector<64xf32>
    %broadcast_in_dim3A_124 = vector.shape_cast %reduce_or3A_123 : vector<64xi1> to vector<64x1xi1>
    %not3A_125 = arith.constant dense<true> : vector<64x1xi1>
    %not3A_126 = arith.xori %broadcast_in_dim3A_124, %not3A_125 : vector<64x1xi1>
    %reshape3A_127 = vector.shape_cast %not3A_126 : vector<64x1xi1> to vector<1x64xi1>
    %eq3A_128 = vector.broadcast %reshape3A_108 : vector<1x64xi32> to vector<4000x64xi32>
    %eq3A_129 = arith.cmpi eq, %add3A_15, %eq3A_128 : vector<4000x64xi32>
    %and3A_130 = vector.broadcast %reshape3A_127 : vector<1x64xi1> to vector<4000x64xi1>
    %and3A_131 = arith.andi %eq3A_129, %and3A_130 : vector<4000x64xi1>
    %convert_element_type3A_132 = arith.extui %and3A_131 : vector<4000x64xi1> to vector<4000x64xi32>
    %convert_element_type3A_133 = arith.sitofp %convert_element_type3A_132 : vector<4000x64xi32> to vector<4000x64xf32>
    %reduce_max3A_134 = arith.constant dense<0xFF800000> : vector<4000xf32>
    %reduce_max3A_135 = vector.multi_reduction <maximumf>, %convert_element_type3A_133, %reduce_max3A_134 [1] : vector<4000x64xf32> to vector<4000xf32>
    %broadcast_in_dim3A_136 = vector.shape_cast %reduce_max3A_135 : vector<4000xf32> to vector<4000x1xf32>
    %slice3A_137 = vector.extract_strided_slice %select_n3A {offsets = [128, 0], sizes = [64, 64], strides = [1, 1]} : vector<256x64xf32> to vector<64x64xf32>
    %dot_general3A_138 = arith.constant dense<0.000000e+00> : vector<4000x64xf32>
    %dot_general3A_139 = tpu.matmul %convert_element_type3A_133, %slice3A_137, %dot_general3A_138 {dimension_numbers = #tpu.dot_dimension_numbers<[1], [0], [0], [1], [0, 0, 1, 1], [], []>, transpose_lhs_hint = false} : vector<4000x64xf32>, vector<64x64xf32>, vector<4000x64xf32> -> vector<4000x64xf32>
    %sub3A_140 = arith.constant 1.000000e+00 : f32
    %sub3A_141 = vector.broadcast %sub3A_140 : f32 to vector<4000x1xf32>
    %sub3A_142 = arith.subf %sub3A_141, %broadcast_in_dim3A_136 : vector<4000x1xf32>
    %mul3A_143 = vector.broadcast %sub3A_142 : vector<4000x1xf32> to vector<4000x64xf32>
    %mul3A_144 = arith.mulf %get3A_2, %mul3A_143 : vector<4000x64xf32>
    %add3A_145 = arith.addf %mul3A_144, %dot_general3A_139 : vector<4000x64xf32>
    %swap3A_146 = arith.constant 2 : index
    %swap3A_147 = arith.constant 0 : index
    %swap3A_148 = arith.constant 0 : index
    %swap3A_149 = vector.load %arg5[%swap3A_146, %swap3A_147, %swap3A_148] : memref<4x4000x64xf32, #tpu.memory_space<vmem>>, vector<1x4000x64xf32>
    %swap3A_150 = vector.shape_cast %swap3A_149 : vector<1x4000x64xf32> to vector<4000x64xf32>
    %swap3A_151 = vector.shape_cast %add3A_145 : vector<4000x64xf32> to vector<1x4000x64xf32>
    tpu.vector_store %arg5[%swap3A_146, %swap3A_147, %swap3A_148], %swap3A_151 {strides = array<i32>} : memref<4x4000x64xf32, #tpu.memory_space<vmem>>, vector<1x4000x64xf32>,
    %get3A_152 = arith.constant 3 : index
    %get3A_153 = arith.constant 0 : index
    %get3A_154 = vector.load %arg2[%get3A_152, %get3A_153] : memref<8x64xi32, #tpu.memory_space<vmem>>, vector<1x64xi32>
    %get3A_155 = vector.shape_cast %get3A_154 : vector<1x64xi32> to vector<64xi32>
    %reshape3A_156 = vector.shape_cast %get3A_155 : vector<64xi32> to vector<1x64xi32>
    %reshape3A_157 = vector.shape_cast %reshape3A_156 : vector<1x64xi32> to vector<64x1xi32>
    %eq3A_158 = vector.broadcast %reshape3A_157 : vector<64x1xi32> to vector<64x64xi32>
    %eq3A_159 = vector.broadcast %reshape3A_156 : vector<1x64xi32> to vector<64x64xi32>
    %eq3A_160 = arith.cmpi eq, %eq3A_158, %eq3A_159 : vector<64x64xi32>
    %and3A_161 = arith.andi %eq3A_160, %gt3A_18 : vector<64x64xi1>
    %reduce_or3A_162 = arith.constant 1.000000e+00 : f32
    %reduce_or3A_163 = arith.constant 0.000000e+00 : f32
    %reduce_or3A_164 = vector.broadcast %reduce_or3A_162 : f32 to vector<64x64xf32>
    %reduce_or3A_165 = vector.broadcast %reduce_or3A_163 : f32 to vector<64x64xf32>
    %reduce_or3A_166 = arith.select %and3A_161, %reduce_or3A_164, %reduce_or3A_165 : vector<64x64xi1>, vector<64x64xf32>
    %reduce_or3A_167 = arith.constant dense<0xFF800000> : vector<64xf32>
    %reduce_or3A_168 = vector.multi_reduction <maximumf>, %reduce_or3A_166, %reduce_or3A_167 [1] : vector<64x64xf32> to vector<64xf32>
    %reduce_or3A_169 = arith.constant 0.000000e+00 : f32
    %reduce_or3A_170 = vector.broadcast %reduce_or3A_169 : f32 to vector<64xf32>
    %reduce_or3A_171 = arith.cmpf ogt, %reduce_or3A_168, %reduce_or3A_170 : vector<64xf32>
    %broadcast_in_dim3A_172 = vector.shape_cast %reduce_or3A_171 : vector<64xi1> to vector<64x1xi1>
    %not3A_173 = arith.constant dense<true> : vector<64x1xi1>
    %not3A_174 = arith.xori %broadcast_in_dim3A_172, %not3A_173 : vector<64x1xi1>
    %reshape3A_175 = vector.shape_cast %not3A_174 : vector<64x1xi1> to vector<1x64xi1>
    %eq3A_176 = vector.broadcast %reshape3A_156 : vector<1x64xi32> to vector<4000x64xi32>
    %eq3A_177 = arith.cmpi eq, %add3A_15, %eq3A_176 : vector<4000x64xi32>
    %and3A_178 = vector.broadcast %reshape3A_175 : vector<1x64xi1> to vector<4000x64xi1>
    %and3A_179 = arith.andi %eq3A_177, %and3A_178 : vector<4000x64xi1>
    %convert_element_type3A_180 = arith.extui %and3A_179 : vector<4000x64xi1> to vector<4000x64xi32>
    %convert_element_type3A_181 = arith.sitofp %convert_element_type3A_180 : vector<4000x64xi32> to vector<4000x64xf32>
    %reduce_max3A_182 = arith.constant dense<0xFF800000> : vector<4000xf32>
    %reduce_max3A_183 = vector.multi_reduction <maximumf>, %convert_element_type3A_181, %reduce_max3A_182 [1] : vector<4000x64xf32> to vector<4000xf32>
    %broadcast_in_dim3A_184 = vector.shape_cast %reduce_max3A_183 : vector<4000xf32> to vector<4000x1xf32>
    %slice3A_185 = vector.extract_strided_slice %select_n3A {offsets = [192, 0], sizes = [64, 64], strides = [1, 1]} : vector<256x64xf32> to vector<64x64xf32>
    %dot_general3A_186 = arith.constant dense<0.000000e+00> : vector<4000x64xf32>
    %dot_general3A_187 = tpu.matmul %convert_element_type3A_181, %slice3A_185, %dot_general3A_186 {dimension_numbers = #tpu.dot_dimension_numbers<[1], [0], [0], [1], [0, 0, 1, 1], [], []>, transpose_lhs_hint = false} : vector<4000x64xf32>, vector<64x64xf32>, vector<4000x64xf32> -> vector<4000x64xf32>
    %sub3A_188 = arith.constant 1.000000e+00 : f32
    %sub3A_189 = vector.broadcast %sub3A_188 : f32 to vector<4000x1xf32>
    %sub3A_190 = arith.subf %sub3A_189, %broadcast_in_dim3A_184 : vector<4000x1xf32>
    %mul3A_191 = vector.broadcast %sub3A_190 : vector<4000x1xf32> to vector<4000x64xf32>
    %mul3A_192 = arith.mulf %get3A_2, %mul3A_191 : vector<4000x64xf32>
    %add3A_193 = arith.addf %mul3A_192, %dot_general3A_187 : vector<4000x64xf32>
    %swap3A_194 = arith.constant 3 : index
    %swap3A_195 = arith.constant 0 : index
    %swap3A_196 = arith.constant 0 : index
    %swap3A_197 = vector.load %arg5[%swap3A_194, %swap3A_195, %swap3A_196] : memref<4x4000x64xf32, #tpu.memory_space<vmem>>, vector<1x4000x64xf32>
    %swap3A_198 = vector.shape_cast %swap3A_197 : vector<1x4000x64xf32> to vector<4000x64xf32>
    %swap3A_199 = vector.shape_cast %add3A_193 : vector<4000x64xf32> to vector<1x4000x64xf32>
    tpu.vector_store %arg5[%swap3A_194, %swap3A_195, %swap3A_196], %swap3A_199 {strides = array<i32>} : memref<4x4000x64xf32, #tpu.memory_space<vmem>>, vector<1x4000x64xf32>,
    return
  }
  func.func @transform_0(%arg0: i32) -> (i32, i32) {
    %c0_i32 = arith.constant 0 : i32
    %c0_i32_0 = arith.constant 0 : i32
    return %arg0, %c0_i32 : i32, i32
  }
  func.func @transform_1(%arg0: i32) -> (i32, i32) {
    %c0_i32 = arith.constant 0 : i32
    %c0_i32_0 = arith.constant 0 : i32
    %c0_i32_1 = arith.constant 0 : i32
    return %c0_i32, %c0_i32_0 : i32, i32
  }
  func.func @transform_2(%arg0: i32) -> (i32, i32) {
    %c0_i32 = arith.constant 0 : i32
    %c0_i32_0 = arith.constant 0 : i32
    %c0_i32_1 = arith.constant 0 : i32
    return %c0_i32, %c0_i32_0 : i32, i32
  }
  func.func @transform_3(%arg0: i32) -> (i32, i32) {
    %c0_i32 = arith.constant 0 : i32
    %c0_i32_0 = arith.constant 0 : i32
    %c0_i32_1 = arith.constant 0 : i32
    return %c0_i32, %c0_i32_0 : i32, i32
  }
  func.func @transform_4(%arg0: i32) -> (i32, i32, i32) {
    %c0_i32 = arith.constant 0 : i32
    %c0_i32_0 = arith.constant 0 : i32
    %c0_i32_1 = arith.constant 0 : i32
    return %c0_i32, %arg0, %c0_i32_0 : i32, i32, i32
  }
}

</mosaic_0001>

<sc_bundles>
// kernel: _run.4.cloned.1.call-start
scs
__scs_entry_jumppad:
0x0: {  	(pc) =	sbr.rel $0x88, $3  }
0x1: {  	(tag) =	ssettag $0x0;
	lr =	simm.s32 $0x1  }
0x2: {  	[smem:$0x3F9B] =	sst lr;
	_ =	strace $0xD0000000  }
0x3: {  	_ = 	snop  }
0x4: {  	_ = 	snop  }
0x5: {  	_ = 	snop  }
0x6: {  	_ = 	snop  }
0x7: {  	_ = 	snop  }
__scs_overlays_trampoline_lowered:
0x8: {  	[smem:$0x3FAA] =	sst s0  }
0x9: {  	[smem:$0x3FAB] =	sst s1  }
0xa: {  	[smem:$0x3FAC] =	sst s2  }
0xb: {  	[smem:$0x3FAD] =	sst s3  }
0xc: {  	[smem:$0x3FAE] =	sst s4  }
0xd: {  	[smem:$0x3FAF] =	sst s5  }
0xe: {  	[smem:$0x3FB0] =	sst s6  }
0xf: {  	[smem:$0x3FB1] =	sst s7  }
0x10: {  	[smem:$0x3FB2] =	sst s8  }
0x11: {  	[smem:$0x3FB3] =	sst s9;
	s0 =	simm.s32 @!p0 $0x0  }
0x12: {  	s1 =	sld [smem:$0x3F99];
	s0 =	simm.s32 @p0 $0x1  }
0x13: {  	[smem:$0x3FB4] =	sst s0;
	s0 =	simm.s32 @!p1 $0x0  }
0x14: {  	s2 =	sld [smem:$0x3F98];
	s0 =	simm.s32 @p1 $0x1  }
0x15: {  	[smem:$0x3FB5] =	sst s0;
	s0 =	simm.s32 @!p2 $0x0  }
0x16: {  	s3 =	sld [smem:$0x3FDB];
	s0 =	simm.s32 @p2 $0x1  }
0x17: {  	s4 =	simm.s32 $0x1BF5;
	[smem:$0x3FB7] =	sst s0  }
0x18: {  	s0 =	sld [smem:$0x3F9A];
	_ =	swait.ge [sflag:s4], $0x0  }
0x19: {  	s7 =	sld [smem:$0x3F9B]  }
0x1a: {  	s8 =	sadd.s32 $0xFFFFE003, lr  }
0x1b: {  	s9 =	sadd.s32 $0xFFFFFEF7, lr;
	s5 =	simm.s32 $0xFFFFFFFF;
	p2 =	slt.u32 s8, $0xFFFFF086  }
0x1c: {  	p1 =	slt.u32 s9, $0xF7A;
	s5 =	simm.s32 @!p2 $0x0  }
0x1d: {  	s5 =	simm.s32 @p1 $0x1;
	p0 =	seq.s32 s7, s2  }
0x1e: {  	s7 =	smul.u32 @!p0 $0xF7A, s2;
	p2 =	seq.s32 @!p0 s5, $0x0  }
0x1f: {  	s9 =	smul.u32 $0xF7A, s1;
	s8 =	simm.s32 @!p0 $0x1BF5;
	p2 =	por !p2, p0  }
0x20: {  	[sflag:s8] =	ssyncset.s32 @!p0 $0xFFFFF086;
	s6 =	sadd.s32 @!p0 s3, s7;
	s7 =	simm.s32 @!p0 $0x108  }
0x21: {  	s3 =	sadd.s32 s3, s9;
	s6 =	sadd.s32 @!p0 $0x88, s6;
	s7 =	simm.s32 @p2 $0x1082  }
0x22: {  	[simem:s7], [sflag:s8] =	dma.local @!p0 [hbm:s6], $0xF7A  }
0x23: {  	s9 =	sor.u32 $0xD0000000, s2;
	s6 =	simm.s32 $0x108;
	_ =	swait.ge @!p0 [sflag:s8], $0x0  }
0x24: {  	s3 =	sadd.s32 $0x88, s3;
	s6 =	simm.s32 @!p1 $0x1082;
	[sflag:s4] =	ssyncset.s32 $0xFFFFF086  }
0x25: {  	[simem:s6], [sflag:s4] =	dma.local [hbm:s3], $0xF7A  }
0x26: {  	[smem:$0x3F9B] =	sst s1;
	(tag) =	ssettag s2;
	_ =	strace s9  }
0x27: {  	s1 =	sld [smem:$0x3FAB]  }
0x28: {  	s2 =	sld [smem:$0x3FAC]  }
0x29: {  	s4 =	sld [smem:$0x3FAE]  }
0x2a: {  	p0 =	seq.s32 s5, $0x0;
	s5 =	sld [smem:$0x3FAF]  }
0x2b: {  	s6 =	sld [smem:$0x3FB0]  }
0x2c: {  	s7 =	sld [smem:$0x3FB1]  }
0x2d: {  	s3 =	simm.s32 $0x108;
	s8 =	sld [smem:$0x3FB2]  }
0x2e: {  	s3 =	simm.s32 @!p0 $0x1082;
	s9 =	sld [smem:$0x3FB3]  }
0x2f: {  	lr =	sadd.s32 s0, s3;
	s0 =	sld [smem:$0x3FAA]  }
0x30: {  	s3 =	sld [smem:$0x3FAD]  }
0x31: {  	[smem:$0x3FB6] =	sst s10  }
0x32: {  	s10 =	sld [smem:$0x3FB4];
	_ =	sdelay $0x3  }
0x33: {  	p0 =	seq.s32 s10, $0x1;
	s10 =	sld [smem:$0x3FB6];
	_ =	sdelay $0x3  }
0x34: {  	[smem:$0x3FB6] =	sst s10  }
0x35: {  	s10 =	sld [smem:$0x3FB5];
	_ =	sdelay $0x3  }
0x36: {  	p1 =	seq.s32 s10, $0x1;
	s10 =	sld [smem:$0x3FB6];
	_ =	sdelay $0x3  }
0x37: {  	[smem:$0x3FB6] =	sst s10  }
0x38: {  	s10 =	sld [smem:$0x3FB7]  }
0x39: {  	_ = 	snop;
	(pc) =	sbr.ind lr, $3  }
0x3a: {  	_ = 	snop  }
0x3b: {  	_ = 	snop  }
0x3c: {  	p2 =	seq.s32 s10, $0x1;
	s10 =	sld [smem:$0x3FB6]  }
0x3d: {  	_ =	shalt  }
0x3e: {  	_ =	shalt  }
0x3f: {  	_ =	shalt  }
0x40: {  	_ =	shalt  }
0x41: {  	_ =	shalt  }
0x42: {  	_ =	shalt  }
0x43: {  	_ =	shalt  }
0x44: {  	_ =	shalt  }
0x45: {  	_ =	shalt  }
0x46: {  	_ =	shalt  }
0x47: {  	_ =	shalt  }
0x48: {  	_ =	shalt  }
0x49: {  	_ =	shalt  }
0x4a: {  	_ =	shalt  }
0x4b: {  	_ =	shalt  }
0x4c: {  	_ =	shalt  }
0x4d: {  	_ =	shalt  }
0x4e: {  	_ =	shalt  }
0x4f: {  	_ =	shalt  }
0x50: {  	_ =	shalt  }
0x51: {  	_ =	shalt  }
0x52: {  	_ =	shalt  }
0x53: {  	_ =	shalt  }
0x54: {  	_ =	shalt  }
0x55: {  	_ =	shalt  }
0x56: {  	_ =	shalt  }
0x57: {  	_ =	shalt  }
0x58: {  	_ =	shalt  }
0x59: {  	_ =	shalt  }
0x5a: {  	_ =	shalt  }
0x5b: {  	_ =	shalt  }
0x5c: {  	_ =	shalt  }
0x5d: {  	_ =	shalt  }
0x5e: {  	_ =	shalt  }
0x5f: {  	_ =	shalt  }
0x60: {  	_ =	shalt  }
0x61: {  	_ =	shalt  }
0x62: {  	_ =	shalt  }
0x63: {  	_ =	shalt  }
0x64: {  	_ =	shalt  }
0x65: {  	_ =	shalt  }
0x66: {  	_ =	shalt  }
0x67: {  	_ =	shalt  }
0x68: {  	_ =	shalt  }
0x69: {  	_ =	shalt  }
0x6a: {  	_ =	shalt  }
0x6b: {  	_ =	shalt  }
0x6c: {  	_ =	shalt  }
0x6d: {  	_ =	shalt  }
0x6e: {  	_ =	shalt  }
0x6f: {  	_ =	shalt  }
0x70: {  	_ =	shalt  }
0x71: {  	_ =	shalt  }
0x72: {  	_ =	shalt  }
0x73: {  	_ =	shalt  }
0x74: {  	_ =	shalt  }
0x75: {  	_ =	shalt  }
0x76: {  	_ =	shalt  }
0x77: {  	_ =	shalt  }
0x78: {  	_ =	shalt  }
0x79: {  	_ =	shalt  }
0x7a: {  	_ =	shalt  }
0x7b: {  	_ =	shalt  }
0x7c: {  	_ =	shalt  }
0x7d: {  	_ =	shalt  }
0x7e: {  	_ =	shalt  }
0x7f: {  	_ =	shalt  }
0x80: {  	_ =	shalt  }
0x81: {  	_ =	shalt  }
0x82: {  	_ =	shalt  }
0x83: {  	_ =	shalt  }
0x84: {  	_ =	shalt  }
0x85: {  	_ =	shalt  }
0x86: {  	_ =	shalt  }
0x87: {  	_ =	shalt  }
.Lfunc_end0:
.L_simem_size_0:
called_computation_lowered:
.L_overlay_start_0:
0x88: {  	s2 =	sld [smem:$0x3FD9]  }
0x89: {  	s3 =	sld [smem:$0x3FFE];
	_ =	sdelay $0x1  }
0x8a: {  	s1 =	srdreg.scid  }
0x8b: {  	s0 =	sand.u32 $0x1, s1  }
0x8c: {  	s17 =	sshll.u32 s0, $0xA;
	s2 =	sadd.s32 s3, s2  }
0x8d: {  	s2 =	sadd.s32 s2, s17  }
0x8e: {  	[smem:$0x3FC2] =	sst s2  }
0x8f: {  	_ = 	snop  }
0x90: {  	s2 =	sld [smem:$0x3FC9]  }
0x91: {  	s18 =	sld [smem:$0x3FC8]  }
0x92: {  	s4 =	sld [smem:$0x3FC6];
	(tm) =	ssettm $0x1  }
0x93: {  	s5 =	sld [smem:$0x3FFB];
	_ =	sdelay $0x3  }
0x94: {  	_ =	strace s5  }
0x95: {  	s5 =	sld [smem:$0x3FFC];
	_ =	sdelay $0x3  }
0x96: {  	_ =	strace s5  }
0x97: {  	s5 =	sld [smem:$0x3FFD];
	_ =	sdelay $0x3  }
0x98: {  	_ =	strace s5  }
0x99: {  	_ =	strace $0x8FFFFFFF  }
0x9a: {  	s19 =	sld [smem:$0x3FDB];
	_ =	sdelay $0x1  }
0x9b: {  	s6 =	simm.s32 $_scs_section_size  }
0x9c: {  	s7 =	simm.s32 $_size__tile_overlayer_lowered;
	s8 =	simm.s32 $_tile_overlayer_lowered  }
0x9d: {  	s22 =	simm.s32 $0x1BFF;
	s21 =	sshll.u32 s8, $0x1;
	s5 =	sadd.s32 s6, s19  }
0x9e: {  	s9 =	simm.s32 $0x0;
	s20 =	sshll.u32 s7, $0x1;
	s7 =	sadd.s32 s21, s5  }
0x9f: {  	[timem:s9], [sflag:s22] =	dma.local [hbm:s7], s20  }
0xa0: {  	_ =	swait.ge [sflag:s22], s20  }
0xa1: {  	s6 =	ssub.s32 $0x0, s20;
	[sflag:s22] =	ssyncset.done $0x0  }
0xa2: {  	[sflag:s22] =	ssyncadd.s32 s6;
	_ =	sdelay $0x1  }
0xa3: {  	s23 =	simm.s32 $0x1B8B  }
0xa4: {  	_ =	swait.ge [sflag:s23], $0x1  }
0xa5: {  	[sflag:s23] =	ssyncset.done $0x0  }
0xa6: {  	s25 =	simm.s32 $0x1B8E;
	s24 =	sld [smem:$0x3FFE];
	[sflag:s23] =	ssyncadd.s32 $0xFFFFFFFF  }
0xa7: {  	s26 =	simm.s32 $execute0_lowered;
	[smem:$0x3FD2] =	sst s25  }
0xa8: {  	s7 =	sshll.u32 s26, $0x1;
	_ =	strace $0x80000046;
	[dreg:$0x1] =	wrdreg $0xFFFFFFFF  }
0xa9: {  	s28 =	simm.s32 $_size_execute0_lowered;
	s5 =	sadd.s32 s5, s7;
	[dreg:$0x0] =	wrdreg $0x0  }
0xaa: {  	s7 =	sshll.u32 s28, $0x1;
	[dreg:$0x2] =	wrdreg s5  }
0xab: {  	[dreg:$0x3] =	wrdreg s7  }
0xac: {  	[dreg:$0x4] =	wrdreg $0xC0  }
0xad: {  	_ =	task [dreg:s9], $0x5FFFF  }
0xae: {  	[dreg:$0x1] =	wrdreg $0xFFFFFFFF  }
0xaf: {  	[dreg:$0x0] =	wrdreg $0x60  }
0xb0: {  	[dreg:$0x2] =	wrdreg s2  }
0xb1: {  	[dreg:$0x3] =	wrdreg s18  }
0xb2: {  	[dreg:$0x4] =	wrdreg s24  }
0xb3: {  	[dreg:$0x5] =	wrdreg s4  }
0xb4: {  	[dreg:$0x6] =	wrdreg $0x9  }
0xb5: {  	_ =	task.clear_ibuf [dreg:s9], $0x7FFFF;
	_ =	strace $0x90000046  }
0xb6: {  	s29 =	simm.s32 $0x9;
	_ =	strace $0x80000048  }
0xb7: {  	_ =	swait.ge [sflag:s29], $0x1  }
0xb8: {  	[sflag:s29] =	ssyncadd.s32 $0xFFFFFFFF  }
0xb9: {  	_ =	strace $0x90000048  }
0xba: {  	_ =	sfence  }
0xbb: {  	s30 =	sld [smem:$0x0];
	_ =	sdelay $0x2  }
0xbc: {  	s31 =	sshll.u32 s1, $0xD;
	s1 =	sshrl.u32 s1, $0x2  }
0xbd: {  	s3 =	sand.u32 $0x4000, s31;
	s1 =	sadd.s32 s1, s30  }
0xbe: {  	s0 =	sor.u32 s3, s0;
	s1 =	sshll.u32 s1, $0x11  }
0xbf: {  	s0 =	sor.u32 s1, s0  }
0xc0: {  	s0 =	sadd.s32 $0x8F2B, s0  }
0xc1: {  	[sflag:s0] =	ssyncadd.remote.s32 $0x1  }
0xc2: {  	_ =	sfence.sel $0xFFFF  }
0xc3: {  	[dreg:$0x0] =	wrdreg $0xFFFFFFFF;
	(pc) =	sbr.abs _section_cstart, $3  }
0xc4: {  	[dreg:$0x1] =	wrdreg $0xFFFFFFFF  }
0xc5: {  	_ =	task.clear_ibuf [dreg:s9], $0x2FFFF;
	_ =	strace $0x9FFFFFFF  }
0xc6: {  	(tm) =	ssettm $0x7FFFFFFF  }
0xc7: {  	_ =	shalt  }
tec
execute0_lowered:
.L_overlay_start_1:
0x0: {  	(tag) =	ssettag $0x1  }
0x1: {  	s1 =	rddreg [dreg:$0x0]  }
0x2: {  	s5 =	rddreg [dreg:$0x1]  }
0x3: {  	s4 =	rddreg [dreg:$0x2]  }
0x4: {  	s6 =	rddreg [dreg:$0x3];
	s3 =	srdreg.scid  }
0x5: {  	s0 =	rddreg [dreg:$0x4];
	s2 =	stileid.u32;
	s12 =	simm.s32 $0x800  }
0x6: {  	s13 =	simm.s32 $0x8;
	s14 =	simm.s32 $0x1;
	s15 =	simm.s32 $0x0  }
0x7: {  	s7 =	sand.u32 $0x1, s3;
	s3 =	simm.s32 $0x0;
	s8 =	sshll.u32 s2, $0x4  }
0x8: {  	s9 =	sshll.u32 s7, $0x3;
	[smem:$0x7FF] =	sst s3;
	s7 =	ssub.s32 $0x2, s7  }
0x9: {  	s8 =	sor.u32 s9, s8;
	_ =	strace $0x80000047;
	s10 =	sshrl.u32 s7, $0x1  }
0xa: {  	s9 =	sshll.u32 s8, $0x4;
	s10 =	ssub.s32 s7, s10;
	s31 =	sshrl.u32 s8, $0x3  }
0xb: {  	s11 =	sadd.s32 s9, s4;
	s4 =	sadd.s32 s6, s31;
	s5 =	sadd.s32 s5, s9  }
0xc: {  	s8 =	smax.u32 s10, $0x1;
	s9 =	simm.s32 $0xC00;
	s10 =	simm.s32 $0x2  }
0xd: {  	s6 =	sadd.s32 $0xA00, s11;
	s7 =	sadd.s32 $0x1A00, s11;
	s11 =	simm.s32 $0x400  }
.LBB2_1:
0xe: {  	[tilespmem:s9], [sflag:$0x2] =	stream.linear.gather [hbm4b:s4+s3], $0x8, $0x38;
	[tilespmem:$0xC80] =	vst v63  }
0xf: {  	_ =	swait.ge [sflag:s10], $0x8  }
0x10: {  	[sflag:s10] =	ssyncset.done $0x0  }
0x11: {  	[sflag:s10] =	ssyncadd.s32 $0xFFFFFFF8  }
0x12: {  	[tilespmem:s11], [sflag:$0x2] =	stream.linear.gather [hbm4b:s5+s3], $0x400, $0x38;
	[tilespmem:$0xC80] =	vst v63  }
0x13: {  	_ =	swait.ge [sflag:s10], $0x400  }
0x14: {  	[sflag:s10] =	ssyncset.done $0x0  }
0x15: {  	[sflag:s10] =	ssyncadd.s32 $0xFFFFFC00  }
0x16: {  	[tilespmem:s12], [sflag:$0x2] =	stream.linear.gather [hbm4b:s6+s3], $0x400, $0x38;
	[tilespmem:$0xC80] =	vst v63  }
0x17: {  	_ =	swait.ge [sflag:s10], $0x400  }
0x18: {  	[sflag:s10] =	ssyncset.done $0x0  }
0x19: {  	[sflag:s10] =	ssyncadd.s32 $0xFFFFFC00  }
0x1a: {  	[tilespmem:s3], [sflag:$0x1] =	stream.indirect.gather [hbm4b:s1+s13], $0x80, s9, s13, $0xb8;
	[tilespmem:$0xC80] =	vst v63  }
0x1b: {  	_ =	swait.ge [sflag:s14], $0x400  }
0x1c: {  	[sflag:s14] =	ssyncset.done $0x0  }
0x1d: {  	s16 =	simm.s32 $0x0;
	[sflag:s14] =	ssyncadd.s32 $0xFFFFFC00  }
0x1e: {  	v0 =	vld [tilespmem:s16+$0x800]  }
0x1f: {  	v1 =	vld [tilespmem:s16+$0x810]  }
0x20: {  	v3 =	vld [tilespmem:s16+$0x400]  }
0x21: {  	v15 =	vld [tilespmem:s16+$0x410]  }
0x22: {  	v11 =	vld [tilespmem:s16+$0x420]  }
0x23: {  	v10 =	vld [tilespmem:s16+$0x430]  }
0x24: {  	v8 =	vld [tilespmem:s16+$0x440]  }
0x25: {  	v7 =	vld [tilespmem:s16+$0x450]  }
0x26: {  	v5 =	vld [tilespmem:s16+$0x460]  }
0x27: {  	v2 =	vld [tilespmem:s16+$0x470]  }
0x28: {  	v14 =	vld [tilespmem:s16+$0x0]  }
0x29: {  	v13 =	vld [tilespmem:s16+$0x10]  }
0x2a: {  	v12 =	vld [tilespmem:s16+$0x20]  }
0x2b: {  	v9 =	vld [tilespmem:s16+$0x30]  }
0x2c: {  	v6 =	vld [tilespmem:s16+$0x40]  }
0x2d: {  	v4 =	vld [tilespmem:s16+$0x50];
	v16 =	vsub.f32 v3, v14  }
0x2e: {  	s17 =	simm.s32 $0x200;
	v15 =	vsub.f32 v15, v13;
	v3 =	vld [tilespmem:s16+$0x60]  }
.LBB2_2:
0x2f: {  	p0 =	sne.s32 s17, $0xE00;
	v16 =	vmul.f32 v16, v0;
	v11 =	vsub.f32 v11, v12;
	v17 =	vld [tilespmem:s16+$0x70]  }
0x30: {  	v15 =	vmul.f32 v15, v0;
	v10 =	vsub.f32 v10, v9;
	v18 =	vld [tilespmem:s16+$0x810]  }
0x31: {  	s18 =	sshra.s32 s17, $0x2;
	v14 =	vadd.f32 v16, v14;
	v11 =	vmul.f32 v11, v0;
	v8 =	vsub.f32 v8, v6;
	v16 =	vld [tilespmem:s16+$0x810]  }
0x32: {  	v13 =	vadd.f32 v15, v13;
	v10 =	vmul.f32 v10, v0;
	v0 =	vld [tilespmem:s18+$0x800];
	v7 =	vsub.f32 v7, v4  }
0x33: {  	v15 =	vld [tilespmem:s18+$0x810];
	[tilespmem:s16+$0x0] =	vst v14;
	v11 =	vadd.f32 v11, v12;
	v8 =	vmul.f32 v8, v1;
	v5 =	vsub.f32 v5, v3  }
0x34: {  	v19 =	vld [tilespmem:s18+$0x400];
	[tilespmem:s16+$0x10] =	vst v13;
	v9 =	vadd.f32 v10, v9;
	v1 =	vmul.f32 v7, v1;
	v2 =	vsub.f32 v2, v17  }
0x35: {  	v20 =	vld [tilespmem:s18+$0x410];
	[tilespmem:s16+$0x20] =	vst v11;
	v6 =	vadd.f32 v8, v6;
	v5 =	vmul.f32 v5, v18  }
0x36: {  	v11 =	vld [tilespmem:s18+$0x420];
	[tilespmem:s16+$0x30] =	vst v9;
	v4 =	vadd.f32 v1, v4;
	v2 =	vmul.f32 v2, v16  }
0x37: {  	v10 =	vld [tilespmem:s18+$0x430];
	[tilespmem:s16+$0x40] =	vst v6;
	v3 =	vadd.f32 v5, v3  }
0x38: {  	v8 =	vld [tilespmem:s18+$0x440];
	[tilespmem:s16+$0x50] =	vst v4;
	v2 =	vadd.f32 v2, v17;
	v1 =	vmov v15  }
0x39: {  	v7 =	vld [tilespmem:s18+$0x450];
	[tilespmem:s16+$0x60] =	vst v3  }
0x3a: {  	v5 =	vld [tilespmem:s18+$0x460];
	[tilespmem:s16+$0x70] =	vst v2;
	s16 =	smov.u32 s18  }
0x3b: {  	v2 =	vld [tilespmem:s16+$0x470]  }
0x3c: {  	v14 =	vld [tilespmem:s16+$0x0]  }
0x3d: {  	v13 =	vld [tilespmem:s16+$0x10]  }
.Ltmp0:
0x3e: {  	v12 =	vld [tilespmem:s16+$0x20];
	(pc) =	sbr.rel @p0 .LBB2_2-.Ltmp0, $4  }
0x3f: {  	v9 =	vld [tilespmem:s16+$0x30]  }
0x40: {  	v6 =	vld [tilespmem:s16+$0x40]  }
0x41: {  	v16 =	vsub.f32 v19, v14;
	v4 =	vld [tilespmem:s16+$0x50]  }
0x42: {  	s17 =	sadd.s32 $0x200, s17;
	v15 =	vsub.f32 v20, v13;
	v3 =	vld [tilespmem:s16+$0x60]  }
0x43: {  	v16 =	vmul.f32 v16, v0;
	v11 =	vsub.f32 v11, v12;
	v17 =	vld [tilespmem:s16+$0x70]  }
0x44: {  	v18 =	vld [tilespmem:s16+$0x810];
	v15 =	vmul.f32 v15, v0;
	v10 =	vsub.f32 v10, v9  }
0x45: {  	v55 =	vld [tilespmem:s16+$0x810];
	v14 =	vadd.f32 v16, v14;
	v11 =	vmul.f32 v11, v0;
	v8 =	vsub.f32 v8, v6  }
0x46: {  	v13 =	vadd.f32 v15, v13;
	v56 =	vmul.f32 v10, v0;
	v7 =	vsub.f32 v7, v4  }
0x47: {  	[tilespmem:s16+$0x0] =	vst v14;
	v57 =	vadd.f32 v11, v12;
	v8 =	vmul.f32 v8, v1;
	v5 =	vsub.f32 v5, v3  }
0x48: {  	[tilespmem:s16+$0x10] =	vst v13;
	v0 =	vadd.f32 v56, v9;
	v58 =	vmul.f32 v7, v1;
	v2 =	vsub.f32 v2, v17  }
0x49: {  	[tilespmem:s16+$0x20] =	vst v57;
	v59 =	vadd.f32 v8, v6;
	v5 =	vmul.f32 v5, v18  }
0x4a: {  	[tilespmem:s16+$0x30] =	vst v0;
	v60 =	vadd.f32 v58, v4;
	v61 =	vmul.f32 v2, v55  }
0x4b: {  	[tilespmem:s16+$0x40] =	vst v59;
	v62 =	vadd.f32 v5, v3  }
0x4c: {  	s15 =	sadd.s32 $0x1, s15;
	[tilespmem:s16+$0x50] =	vst v60;
	v63 =	vadd.f32 v61, v17  }
0x4d: {  	p0 =	sne.s32 s15, s8;
	[tilespmem:s16+$0x60] =	vst v62  }
.Ltmp1:
0x4e: {  	[tilespmem:s16+$0x70] =	vst v63;
	(pc) =	sbr.rel @p0 .LBB2_1-.Ltmp1, $4  }
0x4f: {  	[hbm4b:s7+s3] =	stream.linear.scatter [tilespmem:s3], [sflag:$0x2], $0x400, $0x38;
	[tilespmem:$0xC80] =	vst v63  }
0x50: {  	_ =	swait.ge [sflag:s10], $0x400  }
0x51: {  	[sflag:s10] =	ssyncset.done $0x0  }
0x52: {  	[sflag:s10] =	ssyncadd.s32 $0xFFFFFC00  }
0x53: {  	_ =	sfence.sel $0x180000  }
0x54: {  	[bflag:$0x0] =	sbarrier.arrive $0xFFFF  }
0x55: {  	p0 =	sne.s32 s2, $0x0;
	_ =	strace $0x90000047  }
0x56: {  	s0 =	sadd.s32 @!p0 $0x100000, s0;
	[bflag:$0x2] =	sbarrier.arrive $0xFFFF  }
0x57: {  	[sflag:s0] =	ssyncadd.tile.s32 @!p0 $0x1;
	_ =	shalt  }
.Lfunc_end2:
_tile_overlayer_lowered:
.L_overlay_start_2:
0x58: {  	(tag) =	ssettag $0x2  }
0x59: {  	s0 =	rddreg [dreg:$0x0];
	s2 =	stileid.u32  }
0x5a: {  	s1 =	rddreg [dreg:$0x1];
	p0 =	sne.s32 s2, $0x0  }
0x5b: {  	s3 =	rddreg [dreg:$0x2];
	[bflag:$0x3] =	sbarrier.arrive $0xFFFF;
	s2 =	simm.s32 @!p0 $0x1C02  }
0x5c: {  	[timem:s3], [sflag:s2] =	dma.local @!p0 [hbm:s0], s1  }
0x5d: {  	s0 =	simm.s32 @!p0 $0x2  }
0x5e: {  	_ =	swait.ge @!p0 [sflag:s0], s1  }
0x5f: {  	s1 =	ssub.s32 @!p0 $0x0, s1;
	[sflag:s0] =	ssyncset.done @!p0 $0x0  }
0x60: {  	[sflag:s0] =	ssyncadd.s32 @!p0 s1  }
0x61: {  	[bflag:$0x3] =	sbarrier.arrive $0xFFFF  }
0x62: {  	_ =	shalt  }

</sc_bundles>
